<compile_context>
chip_gen: v7x
topology: tpu7x:2x2x1
jax: 0.10.2.dev20260603
libtpu: 0.0.44.dev20260713+nightly
codegen_flags: <defaults>
</compile_context>

<pallas_src>
import jax
import jax.numpy as jnp
from jax import lax
from jax.experimental import pallas as pl
from jax.experimental.pallas import tpu as pltpu

_NUM_CLASSES = 100000
_NUM_SAMPLED = 8192
_NUM_TRUE = 3
_DIM = 128
_BATCH = 1024

_BN = 2048
_NBLK = pl.cdiv(_NUM_CLASSES, _BN)


def _log_expected_count(ids_f32):
    p = (jnp.log(ids_f32 + 2.0) - jnp.log(ids_f32 + 1.0)) / jnp.log(
        jnp.float32(_NUM_CLASSES + 1.0))
    return jnp.log(1.0 - jnp.exp(_NUM_SAMPLED * jnp.log(1.0 - p)))


def _proj_body(pred_ref, w_ref, b_ref, wv_ref, out_ref, s_ref, acc_ref):
    k = pl.program_id(0)
    tile = (
        jnp.dot(pred_ref[...], w_ref[...], preferred_element_type=jnp.float32)
        + b_ref[...])
    out_ref[...] = tile
    weighted = wv_ref[...] * jnp.exp(tile)

    @pl.when(k == 0)
    def _init():
        acc_ref[...] = jnp.zeros_like(acc_ref)

    @pl.when(k < _NBLK - 1)
    def _accum():
        acc_ref[...] += jnp.sum(weighted, axis=1, keepdims=True)

    @pl.when(k == _NBLK - 1)
    def _accum_tail():
        lane = jax.lax.broadcasted_iota(jnp.int32, (1, _BN), 1)
        valid = lane < (_NUM_CLASSES - (_NBLK - 1) * _BN)
        safe = jnp.where(valid, weighted, 0.0)
        acc_ref[...] += jnp.sum(safe, axis=1, keepdims=True)
        s_ref[...] = acc_ref[...]


def _projection(pred, w, bias2d, wvec2d):
    return pl.pallas_call(
        _proj_body,
        grid=(_NBLK,),
        in_specs=[
            pl.BlockSpec((_BATCH, _DIM), lambda k: (0, 0)),
            pl.BlockSpec((_DIM, _BN), lambda k: (0, k)),
            pl.BlockSpec((1, _BN), lambda k: (0, k)),
            pl.BlockSpec((1, _BN), lambda k: (0, k)),
        ],
        out_specs=[
            pl.BlockSpec((_BATCH, _BN), lambda k: (0, k)),
            pl.BlockSpec((_BATCH, 1), lambda k: (0, 0)),
        ],
        out_shape=[
            jax.ShapeDtypeStruct((_BATCH, _NUM_CLASSES), jnp.float32),
            jax.ShapeDtypeStruct((_BATCH, 1), jnp.float32),
        ],
        scratch_shapes=[pltpu.VMEM((_BATCH, 1), jnp.float32)],
    )(pred, w, bias2d, wvec2d)


def _loss_body(s_ref, tgt_ref, tgtv_ref, out_hbm, loss_ref, tile_ref, sem):
    n = _BATCH * _NUM_TRUE

    def issue(i, _):
        b = i // _NUM_TRUE
        t = i - b * _NUM_TRUE
        cls = tgt_ref[b, t]
        rb = pl.multiple_of((b // 8) * 8, 8)
        cc = pl.multiple_of(
            jnp.minimum((cls // 128) * 128, _NUM_CLASSES - 128), 128)
        pltpu.make_async_copy(
            out_hbm.at[pl.ds(rb, 8), pl.ds(cc, 128)],
            tile_ref.at[i], sem,
        ).start()
        return 0

    lax.fori_loop(0, n, issue, 0)

    def drain(i, _):
        pltpu.make_async_copy(
            out_hbm.at[pl.ds(0, 8), pl.ds(0, 128)], tile_ref.at[0], sem
        ).wait()
        return 0

    lax.fori_loop(0, n, drain, 0)

    tiles = tile_ref[...]
    ii = lax.broadcasted_iota(jnp.int32, (n, 8, 128), 0)
    rr = lax.broadcasted_iota(jnp.int32, (n, 8, 128), 1)
    rows = jnp.where(rr == (ii // _NUM_TRUE) % 8, tiles, 0.0)
    picked = jnp.sum(rows, axis=1).reshape(_BATCH, _NUM_TRUE, 128)
    tgtv = tgtv_ref[...]
    ll = lax.broadcasted_iota(jnp.int32, (_BATCH, _NUM_TRUE, 128), 2)
    lane = tgtv - jnp.minimum((tgtv // 128) * 128, _NUM_CLASSES - 128)
    true_logits = jnp.sum(
        jnp.where(ll == lane[:, :, None], picked, 0.0), axis=2)

    tcorr = _log_expected_count(tgtv.astype(jnp.float32))
    adj_t = true_logits - tcorr
    total = s_ref[...] + jnp.sum(jnp.exp(adj_t), axis=1, keepdims=True)
    loss_b = jnp.log(total) - jnp.mean(adj_t, axis=1, keepdims=True)
    loss_ref[...] = jnp.mean(loss_b).reshape(1, 1)


def _loss(s_acc, target, out):
    return pl.pallas_call(
        _loss_body,
        in_specs=[
            pl.BlockSpec((_BATCH, 1), lambda: (0, 0)),
            pl.BlockSpec(memory_space=pltpu.SMEM),
            pl.BlockSpec((_BATCH, _NUM_TRUE), lambda: (0, 0)),
            pl.BlockSpec(memory_space=pl.ANY),
        ],
        out_specs=pl.BlockSpec((1, 1), lambda: (0, 0)),
        out_shape=jax.ShapeDtypeStruct((1, 1), jnp.float32),
        scratch_shapes=[
            pltpu.VMEM((_BATCH * _NUM_TRUE, 8, 128), jnp.float32),
            pltpu.SemaphoreType.DMA,
        ],
    )(s_acc, target, target, out)


def kernel(pred, kernel, bias, target):
    u = jax.random.uniform(jax.random.key(42), (_NUM_SAMPLED,),
                           dtype=jnp.float32)
    sampled = jnp.clip(
        (jnp.exp(u * jnp.log(_NUM_CLASSES + 1.0)) - 1.0).astype(jnp.int32),
        0, _NUM_CLASSES - 1)
    inv_exp = jnp.exp(-_log_expected_count(sampled.astype(jnp.float32)))
    wvec = jnp.zeros((_NUM_CLASSES,), jnp.float32).at[sampled].add(inv_exp)

    out, s_acc = _projection(pred, kernel, bias.reshape(1, _NUM_CLASSES),
                             wvec.reshape(1, _NUM_CLASSES))
    loss = _loss(s_acc, target, out)
    return out, loss.reshape(())

# --- scband reference (transcript-rebuilt; emitter-appended) ---
"""Pipeline reference for scband-sampling-3762391351638 (READ-ONLY COPY).

The authoritative reference and input builder live on the scoring server;
editing this copy changes nothing except your own understanding.
"""

import jax, jax.numpy as jnp
import numpy as np

NUM_CLASSES = 100000
NUM_SAMPLED = 8192
NUM_TRUE = 3
DIM = 128
BATCH = 1024


def setup_inputs(seed: int = 0) -> dict:
    key = jax.random.key(seed)
    k1, k2, k3 = jax.random.split(key, 3)
    pred = jax.random.normal(k1, (BATCH, DIM), dtype=jnp.float32)
    target = jax.random.randint(k2, (BATCH, NUM_TRUE), 0, NUM_CLASSES, dtype=jnp.int32)
    kernel = jax.random.normal(k3, (DIM, NUM_CLASSES), dtype=jnp.float32) * (1.0 / np.sqrt(DIM))
    bias = jnp.zeros((NUM_CLASSES,), dtype=jnp.float32)
    return {"pred": pred, "kernel": kernel, "bias": bias, "target": target}


def _log_uniform_logp(ids):
    # TF LogUniformCandidateSampler class probability: P(c) = (log(c+2)-log(c+1))/log(range_max+1)
    ids = ids.astype(jnp.float32)
    return jnp.log((jnp.log(ids + 2.0) - jnp.log(ids + 1.0)) / jnp.log(NUM_CLASSES + 1.0))


def _sampled_softmax_loss(pred, kernel, bias, target):
    # Draw candidates from the log-uniform (Zipf) distribution via inverse CDF,
    # matching tf.nn.log_uniform_candidate_sampler's sampling transform.
    skey = jax.random.key(42)
    u = jax.random.uniform(skey, (NUM_SAMPLED,), dtype=jnp.float32)
    sampled = jnp.clip((jnp.exp(u * jnp.log(NUM_CLASSES + 1.0)) - 1.0).astype(jnp.int32), 0, NUM_CLASSES - 1)
    weights_t = kernel.T  # [num_classes, dim] == K.transpose(self.kernel)
    true_w = weights_t[target]                      # gather [B, num_true, dim]
    true_b = bias[target]                           # gather [B, num_true]
    true_logits = jnp.einsum('bd,btd->bt', pred, true_w) + true_b
    sampled_w = weights_t[sampled]                  # gather [S, dim]
    sampled_logits = pred @ sampled_w.T + bias[sampled]
    true_p = jnp.exp(_log_uniform_logp(target))
    sampled_p = jnp.exp(_log_uniform_logp(sampled))
    # expected counts for sampling-with-rejection (unique=True): -expm1(n*log1p(-p))
    true_exp = -jnp.expm1(NUM_SAMPLED * jnp.log1p(-true_p))
    sampled_exp = -jnp.expm1(NUM_SAMPLED * jnp.log1p(-sampled_p))
    true_logits = true_logits - jnp.log(true_exp)
    sampled_logits = sampled_logits - jnp.log(sampled_exp)
    out_logits = jnp.concatenate([true_logits, sampled_logits], axis=1)
    labels = jnp.concatenate([
        jnp.full((pred.shape[0], NUM_TRUE), 1.0 / NUM_TRUE, dtype=jnp.float32),
        jnp.zeros((pred.shape[0], NUM_SAMPLED), dtype=jnp.float32)], axis=1)
    logz = jax.scipy.special.logsumexp(out_logits, axis=1)
    return logz - jnp.sum(labels * out_logits, axis=1)


def reference(pred, kernel, bias, target):
    # forward: full dense projection output = pred @ kernel + bias
    output = pred @ kernel + bias
    # side loss added via add_loss: mean sampled softmax loss
    loss = jnp.mean(_sampled_softmax_loss(pred, kernel, bias, target))
    return output, loss

if __name__ == "__main__":
    import jax
    _d = setup_inputs()
    print(jax.jit(kernel)(*tuple(_d.values())))

</pallas_src>

<mosaic_0001>
module attributes {stable_mosaic.version = 14 : i64} {
  func.func @_proj_body(%arg0: i32, %arg1: memref<1024x128xf32, #tpu.memory_space<vmem>>, %arg2: memref<128x2048xf32, #tpu.memory_space<vmem>>, %arg3: memref<1x2048xf32, #tpu.memory_space<vmem>>, %arg4: memref<1x2048xf32, #tpu.memory_space<vmem>>, %arg5: memref<1024x2048xf32, #tpu.memory_space<vmem>>, %arg6: memref<1024x1xf32, #tpu.memory_space<vmem>>, %arg7: memref<1024x1xf32, #tpu.memory_space<vmem>>) attributes {dimension_semantics = [#tpu.dimension_semantics<arbitrary>], iteration_bounds = array<i64: 49>, scalar_prefetch = 0 : i64, scratch_operands = 1 : i64, tpu.core_type = #tpu.core_type<tc>, window_params = [{pipeline_mode = #tpu.pipeline_mode<synchronous>, transform_indices = @transform_0, window_bounds = array<i64: 1024, 128>}, {transform_indices = @transform_1, window_bounds = array<i64: 128, 2048>}, {transform_indices = @transform_2, window_bounds = array<i64: 1, 2048>}, {transform_indices = @transform_3, window_bounds = array<i64: 1, 2048>}, {transform_indices = @transform_4, window_bounds = array<i64: 1024, 2048>}, {pipeline_mode = #tpu.pipeline_mode<synchronous>, transform_indices = @transform_5, window_bounds = array<i64: 1024, 1>}]} {
    %get3A = arith.constant 0 : index
    %get3A_0 = arith.constant 0 : index
    %get3A_1 = vector.load %arg1[%get3A, %get3A_0] : memref<1024x128xf32, #tpu.memory_space<vmem>>, vector<1024x128xf32>
    %get3A_2 = arith.constant 0 : index
    %get3A_3 = arith.constant 0 : index
    %get3A_4 = vector.load %arg2[%get3A_2, %get3A_3] : memref<128x2048xf32, #tpu.memory_space<vmem>>, vector<128x2048xf32>
    %dot_general3A = arith.constant dense<0.000000e+00> : vector<1024x2048xf32>
    %dot_general3A_5 = tpu.matmul %get3A_1, %get3A_4, %dot_general3A {dimension_numbers = #tpu.dot_dimension_numbers<[1], [0], [0], [1], [0, 0, 1, 1], [], []>, transpose_lhs_hint = false} : vector<1024x128xf32>, vector<128x2048xf32>, vector<1024x2048xf32> -> vector<1024x2048xf32>
    %get3A_6 = arith.constant 0 : index
    %get3A_7 = arith.constant 0 : index
    %get3A_8 = vector.load %arg3[%get3A_6, %get3A_7] : memref<1x2048xf32, #tpu.memory_space<vmem>>, vector<1x2048xf32>
    %add3A = vector.broadcast %get3A_8 : vector<1x2048xf32> to vector<1024x2048xf32>
    %add3A_9 = arith.addf %dot_general3A_5, %add3A : vector<1024x2048xf32>
    %swap3A = arith.constant 0 : index
    %swap3A_10 = arith.constant 0 : index
    %swap3A_11 = vector.load %arg5[%swap3A, %swap3A_10] : memref<1024x2048xf32, #tpu.memory_space<vmem>>, vector<1024x2048xf32>
    tpu.vector_store %arg5[%swap3A, %swap3A_10], %add3A_9 {strides = array<i32>} : memref<1024x2048xf32, #tpu.memory_space<vmem>>, vector<1024x2048xf32>,
    %get3A_12 = arith.constant 0 : index
    %get3A_13 = arith.constant 0 : index
    %get3A_14 = vector.load %arg4[%get3A_12, %get3A_13] : memref<1x2048xf32, #tpu.memory_space<vmem>>, vector<1x2048xf32>
    %exp3A = math.exp %add3A_9 : vector<1024x2048xf32>
    %mul3A = vector.broadcast %get3A_14 : vector<1x2048xf32> to vector<1024x2048xf32>
    %mul3A_15 = arith.mulf %mul3A, %exp3A : vector<1024x2048xf32>
    %eq3A = arith.constant 0 : i32
    %eq3A_16 = arith.cmpi eq, %arg0, %eq3A : i32
    %convert_element_type3A = arith.extui %eq3A_16 : i1 to i32
    %cond3A = arith.constant 0 : i32
    %cond3A_17 = arith.cmpi ne, %convert_element_type3A, %cond3A : i32
    scf.if %cond3A_17 {
      %broadcast_in_dim3A = arith.constant 0.000000e+00 : f32
      %broadcast_in_dim3A_27 = vector.broadcast %broadcast_in_dim3A : f32 to vector<1024x1xf32>
      %swap3A_28 = arith.constant 0 : index
      %swap3A_29 = arith.constant 0 : index
      %swap3A_30 = vector.load %arg7[%swap3A_28, %swap3A_29] : memref<1024x1xf32, #tpu.memory_space<vmem>>, vector<1024x1xf32>
      tpu.vector_store %arg7[%swap3A_28, %swap3A_29], %broadcast_in_dim3A_27 {strides = array<i32>} : memref<1024x1xf32, #tpu.memory_space<vmem>>, vector<1024x1xf32>,
    } else {
    }
    %lt3A = arith.constant 48 : i32
    %lt3A_18 = arith.cmpi slt, %arg0, %lt3A : i32
    %convert_element_type3A_19 = arith.extui %lt3A_18 : i1 to i32
    %cond3A_20 = arith.constant 0 : i32
    %cond3A_21 = arith.cmpi ne, %convert_element_type3A_19, %cond3A_20 : i32
    scf.if %cond3A_21 {
      %get3A_27 = arith.constant 0 : index
      %get3A_28 = arith.constant 0 : index
      %get3A_29 = vector.load %arg7[%get3A_27, %get3A_28] : memref<1024x1xf32, #tpu.memory_space<vmem>>, vector<1024x1xf32>
      %reduce_sum3A = arith.constant dense<0.000000e+00> : vector<1024xf32>
      %reduce_sum3A_30 = vector.multi_reduction <add>, %mul3A_15, %reduce_sum3A [1] : vector<1024x2048xf32> to vector<1024xf32>
      %broadcast_in_dim3A = vector.shape_cast %reduce_sum3A_30 : vector<1024xf32> to vector<1024x1xf32>
      %add3A_31 = arith.addf %get3A_29, %broadcast_in_dim3A : vector<1024x1xf32>
      %swap3A_32 = arith.constant 0 : index
      %swap3A_33 = arith.constant 0 : index
      %swap3A_34 = vector.load %arg7[%swap3A_32, %swap3A_33] : memref<1024x1xf32, #tpu.memory_space<vmem>>, vector<1024x1xf32>
      tpu.vector_store %arg7[%swap3A_32, %swap3A_33], %add3A_31 {strides = array<i32>} : memref<1024x1xf32, #tpu.memory_space<vmem>>, vector<1024x1xf32>,
    } else {
    }
    %eq3A_22 = arith.constant 48 : i32
    %eq3A_23 = arith.cmpi eq, %arg0, %eq3A_22 : i32
    %convert_element_type3A_24 = arith.extui %eq3A_23 : i1 to i32
    %cond3A_25 = arith.constant 0 : i32
    %cond3A_26 = arith.cmpi ne, %convert_element_type3A_24, %cond3A_25 : i32
    scf.if %cond3A_26 {
      %iota3A = tpu.iota {dimensions = array<i32: 1>} : vector<1x2048xi32>
      %lt3A_27 = arith.constant 1696 : i32
      %lt3A_28 = vector.broadcast %lt3A_27 : i32 to vector<1x2048xi32>
      %lt3A_29 = arith.cmpi slt, %iota3A, %lt3A_28 : vector<1x2048xi32>
      %jit3A = arith.constant 0.000000e+00 : f32
      %broadcast_in_dim3A = vector.shape_cast %lt3A_29 : vector<1x2048xi1> to vector<1x2048xi1>
      %broadcast_in_dim3A_30 = vector.broadcast %broadcast_in_dim3A : vector<1x2048xi1> to vector<1024x2048xi1>
      %broadcast_in_dim3A_31 = vector.broadcast %jit3A : f32 to vector<1024x2048xf32>
      %select_n3A = arith.select %broadcast_in_dim3A_30, %mul3A_15, %broadcast_in_dim3A_31 : vector<1024x2048xi1>, vector<1024x2048xf32>
      %get3A_32 = arith.constant 0 : index
      %get3A_33 = arith.constant 0 : index
      %get3A_34 = vector.load %arg7[%get3A_32, %get3A_33] : memref<1024x1xf32, #tpu.memory_space<vmem>>, vector<1024x1xf32>
      %reduce_sum3A = arith.constant dense<0.000000e+00> : vector<1024xf32>
      %reduce_sum3A_35 = vector.multi_reduction <add>, %select_n3A, %reduce_sum3A [1] : vector<1024x2048xf32> to vector<1024xf32>
      %broadcast_in_dim3A_36 = vector.shape_cast %reduce_sum3A_35 : vector<1024xf32> to vector<1024x1xf32>
      %add3A_37 = arith.addf %get3A_34, %broadcast_in_dim3A_36 : vector<1024x1xf32>
      %swap3A_38 = arith.constant 0 : index
      %swap3A_39 = arith.constant 0 : index
      %swap3A_40 = vector.load %arg7[%swap3A_38, %swap3A_39] : memref<1024x1xf32, #tpu.memory_space<vmem>>, vector<1024x1xf32>
      tpu.vector_store %arg7[%swap3A_38, %swap3A_39], %add3A_37 {strides = array<i32>} : memref<1024x1xf32, #tpu.memory_space<vmem>>, vector<1024x1xf32>,
      %get3A_41 = arith.constant 0 : index
      %get3A_42 = arith.constant 0 : index
      %get3A_43 = vector.load %arg7[%get3A_41, %get3A_42] : memref<1024x1xf32, #tpu.memory_space<vmem>>, vector<1024x1xf32>
      %swap3A_44 = arith.constant 0 : index
      %swap3A_45 = arith.constant 0 : index
      %swap3A_46 = vector.load %arg6[%swap3A_44, %swap3A_45] : memref<1024x1xf32, #tpu.memory_space<vmem>>, vector<1024x1xf32>
      tpu.vector_store %arg6[%swap3A_44, %swap3A_45], %get3A_43 {strides = array<i32>} : memref<1024x1xf32, #tpu.memory_space<vmem>>, vector<1024x1xf32>,
    } else {
    }
    return
  }
  func.func @transform_0(%arg0: i32) -> (i32, i32) {
    %c0_i32 = arith.constant 0 : i32
    %c0_i32_0 = arith.constant 0 : i32
    %c0_i32_1 = arith.constant 0 : i32
    return %c0_i32, %c0_i32_0 : i32, i32
  }
  func.func @transform_1(%arg0: i32) -> (i32, i32) {
    %c0_i32 = arith.constant 0 : i32
    %c0_i32_0 = arith.constant 0 : i32
    return %c0_i32, %arg0 : i32, i32
  }
  func.func @transform_2(%arg0: i32) -> (i32, i32) {
    %c0_i32 = arith.constant 0 : i32
    %c0_i32_0 = arith.constant 0 : i32
    return %c0_i32, %arg0 : i32, i32
  }
  func.func @transform_3(%arg0: i32) -> (i32, i32) {
    %c0_i32 = arith.constant 0 : i32
    %c0_i32_0 = arith.constant 0 : i32
    return %c0_i32, %arg0 : i32, i32
  }
  func.func @transform_4(%arg0: i32) -> (i32, i32) {
    %c0_i32 = arith.constant 0 : i32
    %c0_i32_0 = arith.constant 0 : i32
    return %c0_i32, %arg0 : i32, i32
  }
  func.func @transform_5(%arg0: i32) -> (i32, i32) {
    %c0_i32 = arith.constant 0 : i32
    %c0_i32_0 = arith.constant 0 : i32
    %c0_i32_1 = arith.constant 0 : i32
    return %c0_i32, %c0_i32_0 : i32, i32
  }
}

module attributes {stable_mosaic.version = 14 : i64} {
  func.func @_loss_body(%arg0: memref<1024x1xf32, #tpu.memory_space<vmem>>, %arg1: memref<1024x3xi32, #tpu.memory_space<smem>>, %arg2: memref<1024x3xi32, #tpu.memory_space<vmem>>, %arg3: memref<1024x100000xf32, #tpu.memory_space<any>>, %arg4: memref<1x1xf32, #tpu.memory_space<vmem>>, %arg5: memref<3072x8x128xf32, #tpu.memory_space<vmem>>, %arg6: memref<!tpu.dma_semaphore, #tpu.memory_space<semaphore_mem>>) attributes {dimension_semantics = [], scalar_prefetch = 0 : i64, scratch_operands = 2 : i64, tpu.core_type = #tpu.core_type<tc>} {
    %scan3A = arith.constant 0 : i32
    %scan3A_0 = arith.constant 3072 : i32
    %scan3A_1 = arith.addi %scan3A, %scan3A_0 : i32
    %scan3A_2 = arith.constant 1 : i32
    scf.for %scan3A_156 = %scan3A to %scan3A_1 step %scan3A_2  : i32 {
      %jit3A_157 = arith.constant 3 : i32
      %div3A_158 = arith.divsi %scan3A_156, %jit3A_157 : i32
      %sign3A_159 = arith.constant 0 : i32
      %sign3A_160 = arith.cmpi sgt, %scan3A_156, %sign3A_159 : i32
      %sign3A_161 = arith.extui %sign3A_160 : i1 to i32
      %sign3A_162 = arith.constant 0 : i32
      %sign3A_163 = arith.cmpi slt, %scan3A_156, %sign3A_162 : i32
      %sign3A_164 = arith.extui %sign3A_163 : i1 to i32
      %sign3A_165 = arith.subi %sign3A_161, %sign3A_164 : i32
      %sign3A_166 = arith.constant 0 : i32
      %sign3A_167 = arith.cmpi sgt, %jit3A_157, %sign3A_166 : i32
      %sign3A_168 = arith.extui %sign3A_167 : i1 to i32
      %sign3A_169 = arith.constant 0 : i32
      %sign3A_170 = arith.cmpi slt, %jit3A_157, %sign3A_169 : i32
      %sign3A_171 = arith.extui %sign3A_170 : i1 to i32
      %sign3A_172 = arith.subi %sign3A_168, %sign3A_171 : i32
      %ne3A_173 = arith.cmpi ne, %sign3A_165, %sign3A_172 : i32
      %rem3A_174 = arith.remsi %scan3A_156, %jit3A_157 : i32
      %ne3A_175 = arith.constant 0 : i32
      %ne3A_176 = arith.cmpi ne, %rem3A_174, %ne3A_175 : i32
      %and3A_177 = arith.andi %ne3A_173, %ne3A_176 : i1
      %sub3A_178 = arith.constant 1 : i32
      %sub3A_179 = arith.subi %div3A_158, %sub3A_178 : i32
      %select_n3A_180 = arith.select %and3A_177, %sub3A_179, %div3A_158 : i32
      %mul3A_181 = arith.constant 3 : i32
      %mul3A_182 = arith.muli %select_n3A_180, %mul3A_181 : i32
      %sub3A_183 = arith.subi %scan3A_156, %mul3A_182 : i32
      %get3A_184 = arith.index_cast %select_n3A_180 : i32 to index
      %get3A_185 = arith.index_cast %sub3A_183 : i32 to index
      %get3A_186 = memref.load %arg1[%get3A_184, %get3A_185] : memref<1024x3xi32, #tpu.memory_space<smem>>
      %jit3A_187 = arith.constant 8 : i32
      %div3A_188 = arith.divsi %select_n3A_180, %jit3A_187 : i32
      %sign3A_189 = arith.constant 0 : i32
      %sign3A_190 = arith.cmpi sgt, %select_n3A_180, %sign3A_189 : i32
      %sign3A_191 = arith.extui %sign3A_190 : i1 to i32
      %sign3A_192 = arith.constant 0 : i32
      %sign3A_193 = arith.cmpi slt, %select_n3A_180, %sign3A_192 : i32
      %sign3A_194 = arith.extui %sign3A_193 : i1 to i32
      %sign3A_195 = arith.subi %sign3A_191, %sign3A_194 : i32
      %sign3A_196 = arith.constant 0 : i32
      %sign3A_197 = arith.cmpi sgt, %jit3A_187, %sign3A_196 : i32
      %sign3A_198 = arith.extui %sign3A_197 : i1 to i32
      %sign3A_199 = arith.constant 0 : i32
      %sign3A_200 = arith.cmpi slt, %jit3A_187, %sign3A_199 : i32
      %sign3A_201 = arith.extui %sign3A_200 : i1 to i32
      %sign3A_202 = arith.subi %sign3A_198, %sign3A_201 : i32
      %ne3A_203 = arith.cmpi ne, %sign3A_195, %sign3A_202 : i32
      %rem3A_204 = arith.remsi %select_n3A_180, %jit3A_187 : i32
      %ne3A_205 = arith.constant 0 : i32
      %ne3A_206 = arith.cmpi ne, %rem3A_204, %ne3A_205 : i32
      %and3A_207 = arith.andi %ne3A_203, %ne3A_206 : i1
      %sub3A_208 = arith.constant 1 : i32
      %sub3A_209 = arith.subi %div3A_188, %sub3A_208 : i32
      %select_n3A_210 = arith.select %and3A_207, %sub3A_209, %div3A_188 : i32
      %mul3A_211 = arith.constant 8 : i32
      %mul3A_212 = arith.muli %select_n3A_210, %mul3A_211 : i32
      %multiple_of3A = tpu.assume_multiple %mul3A_212, 8 : i32
      %jit3A_213 = arith.constant 128 : i32
      %div3A_214 = arith.divsi %get3A_186, %jit3A_213 : i32
      %sign3A_215 = arith.constant 0 : i32
      %sign3A_216 = arith.cmpi sgt, %get3A_186, %sign3A_215 : i32
      %sign3A_217 = arith.extui %sign3A_216 : i1 to i32
      %sign3A_218 = arith.constant 0 : i32
      %sign3A_219 = arith.cmpi slt, %get3A_186, %sign3A_218 : i32
      %sign3A_220 = arith.extui %sign3A_219 : i1 to i32
      %sign3A_221 = arith.subi %sign3A_217, %sign3A_220 : i32
      %sign3A_222 = arith.constant 0 : i32
      %sign3A_223 = arith.cmpi sgt, %jit3A_213, %sign3A_222 : i32
      %sign3A_224 = arith.extui %sign3A_223 : i1 to i32
      %sign3A_225 = arith.constant 0 : i32
      %sign3A_226 = arith.cmpi slt, %jit3A_213, %sign3A_225 : i32
      %sign3A_227 = arith.extui %sign3A_226 : i1 to i32
      %sign3A_228 = arith.subi %sign3A_224, %sign3A_227 : i32
      %ne3A_229 = arith.cmpi ne, %sign3A_221, %sign3A_228 : i32
      %rem3A_230 = arith.remsi %get3A_186, %jit3A_213 : i32
      %ne3A_231 = arith.constant 0 : i32
      %ne3A_232 = arith.cmpi ne, %rem3A_230, %ne3A_231 : i32
      %and3A_233 = arith.andi %ne3A_229, %ne3A_232 : i1
      %sub3A_234 = arith.constant 1 : i32
      %sub3A_235 = arith.subi %div3A_214, %sub3A_234 : i32
      %select_n3A_236 = arith.select %and3A_233, %sub3A_235, %div3A_214 : i32
      %mul3A_237 = arith.constant 128 : i32
      %mul3A_238 = arith.muli %select_n3A_236, %mul3A_237 : i32
      %min3A_239 = arith.constant 99872 : i32
      %min3A_240 = arith.minsi %mul3A_238, %min3A_239 : i32
      %multiple_of3A_241 = tpu.assume_multiple %min3A_240, 128 : i32
      %dma_start3A = arith.constant 0 : i32
      %dma_start3A_242 = arith.constant 0 : i32
      %dma_start3A_243 = tpu.memref_slice %arg5[%scan3A_156, %dma_start3A, %dma_start3A_242] : memref<3072x8x128xf32, #tpu.memory_space<vmem>> -> memref<1x8x128xf32, #tpu.memory_space<vmem>>
      %dma_start3A_244 = tpu.memref_squeeze %dma_start3A_243 : memref<1x8x128xf32, #tpu.memory_space<vmem>> -> memref<8x128xf32, #tpu.memory_space<vmem>>
      %dma_start3A_245 = tpu.memref_slice %arg3[%multiple_of3A, %multiple_of3A_241] : memref<1024x100000xf32, #tpu.memory_space<any>> -> memref<8x128xf32, #tpu.memory_space<any>>
      tpu.enqueue_dma source(%dma_start3A_245 : memref<8x128xf32, #tpu.memory_space<any>>) target(%dma_start3A_244 : memref<8x128xf32, #tpu.memory_space<vmem>>) target_semaphore(%arg6 : memref<!tpu.dma_semaphore, #tpu.memory_space<semaphore_mem>>)
    }
    %scan3A_3 = arith.constant 3072 : i32
    %scan3A_4 = arith.constant 0 : i32
    %scan3A_5 = arith.constant 3072 : i32
    %scan3A_6 = arith.addi %scan3A_4, %scan3A_5 : i32
    %scan3A_7 = arith.constant 1 : i32
    scf.for %scan3A_156 = %scan3A_4 to %scan3A_6 step %scan3A_7  : i32 {
      %dma_wait3A = arith.constant 0 : i32
      %dma_wait3A_157 = arith.constant 0 : i32
      %dma_wait3A_158 = arith.constant 0 : i32
      %dma_wait3A_159 = tpu.memref_slice %arg5[%dma_wait3A, %dma_wait3A_157, %dma_wait3A_158] : memref<3072x8x128xf32, #tpu.memory_space<vmem>> -> memref<1x8x128xf32, #tpu.memory_space<vmem>>
      %dma_wait3A_160 = tpu.memref_squeeze %dma_wait3A_159 : memref<1x8x128xf32, #tpu.memory_space<vmem>> -> memref<8x128xf32, #tpu.memory_space<vmem>>
      %dma_wait3A_161 = arith.constant 0 : i32
      %dma_wait3A_162 = arith.constant 0 : i32
      %dma_wait3A_163 = tpu.memref_slice %arg3[%dma_wait3A_161, %dma_wait3A_162] : memref<1024x100000xf32, #tpu.memory_space<any>> -> memref<8x128xf32, #tpu.memory_space<any>>
      tpu.wait_dma2 semaphore(%arg6 : memref<!tpu.dma_semaphore, #tpu.memory_space<semaphore_mem>>) src(%dma_wait3A_163 : memref<8x128xf32, #tpu.memory_space<any>>) dst(%dma_wait3A_160 : memref<8x128xf32, #tpu.memory_space<vmem>>)
    }
    %get3A = arith.constant 0 : index
    %get3A_8 = arith.constant 0 : index
    %get3A_9 = arith.constant 0 : index
    %get3A_10 = vector.load %arg5[%get3A, %get3A_8, %get3A_9] : memref<3072x8x128xf32, #tpu.memory_space<vmem>>, vector<3072x8x128xf32>
    %iota3A = tpu.iota {dimensions = array<i32: 0>} : vector<3072x8x128xi32>
    %iota3A_11 = tpu.iota {dimensions = array<i32: 1>} : vector<3072x8x128xi32>
    %jit3A = arith.constant 3 : i32
    %div3A = vector.broadcast %jit3A : i32 to vector<3072x8x128xi32>
    %div3A_12 = arith.divsi %iota3A, %div3A : vector<3072x8x128xi32>
    %sign3A = arith.constant 0 : i32
    %sign3A_13 = vector.broadcast %sign3A : i32 to vector<3072x8x128xi32>
    %sign3A_14 = arith.cmpi sgt, %iota3A, %sign3A_13 : vector<3072x8x128xi32>
    %sign3A_15 = arith.extui %sign3A_14 : vector<3072x8x128xi1> to vector<3072x8x128xi32>
    %sign3A_16 = arith.constant 0 : i32
    %sign3A_17 = vector.broadcast %sign3A_16 : i32 to vector<3072x8x128xi32>
    %sign3A_18 = arith.cmpi slt, %iota3A, %sign3A_17 : vector<3072x8x128xi32>
    %sign3A_19 = arith.extui %sign3A_18 : vector<3072x8x128xi1> to vector<3072x8x128xi32>
    %sign3A_20 = arith.subi %sign3A_15, %sign3A_19 : vector<3072x8x128xi32>
    %sign3A_21 = arith.constant 0 : i32
    %sign3A_22 = arith.cmpi sgt, %jit3A, %sign3A_21 : i32
    %sign3A_23 = arith.extui %sign3A_22 : i1 to i32
    %sign3A_24 = arith.constant 0 : i32
    %sign3A_25 = arith.cmpi slt, %jit3A, %sign3A_24 : i32
    %sign3A_26 = arith.extui %sign3A_25 : i1 to i32
    %sign3A_27 = arith.subi %sign3A_23, %sign3A_26 : i32
    %ne3A = vector.broadcast %sign3A_27 : i32 to vector<3072x8x128xi32>
    %ne3A_28 = arith.cmpi ne, %sign3A_20, %ne3A : vector<3072x8x128xi32>
    %rem3A = vector.broadcast %jit3A : i32 to vector<3072x8x128xi32>
    %rem3A_29 = arith.remsi %iota3A, %rem3A : vector<3072x8x128xi32>
    %ne3A_30 = arith.constant 0 : i32
    %ne3A_31 = vector.broadcast %ne3A_30 : i32 to vector<3072x8x128xi32>
    %ne3A_32 = arith.cmpi ne, %rem3A_29, %ne3A_31 : vector<3072x8x128xi32>
    %and3A = arith.andi %ne3A_28, %ne3A_32 : vector<3072x8x128xi1>
    %sub3A = arith.constant 1 : i32
    %sub3A_33 = vector.broadcast %sub3A : i32 to vector<3072x8x128xi32>
    %sub3A_34 = arith.subi %div3A_12, %sub3A_33 : vector<3072x8x128xi32>
    %select_n3A = arith.select %and3A, %sub3A_34, %div3A_12 : vector<3072x8x128xi1>, vector<3072x8x128xi32>
    %jit3A_35 = arith.constant 8 : i32
    %eq3A = arith.constant 0 : i32
    %eq3A_36 = arith.cmpi eq, %jit3A_35, %eq3A : i32
    %jit3A_37 = arith.constant 1 : i32
    %select_n3A_38 = arith.select %eq3A_36, %jit3A_37, %jit3A_35 : i32
    %rem3A_39 = vector.broadcast %select_n3A_38 : i32 to vector<3072x8x128xi32>
    %rem3A_40 = arith.remsi %select_n3A, %rem3A_39 : vector<3072x8x128xi32>
    %ne3A_41 = arith.constant 0 : i32
    %ne3A_42 = vector.broadcast %ne3A_41 : i32 to vector<3072x8x128xi32>
    %ne3A_43 = arith.cmpi ne, %rem3A_40, %ne3A_42 : vector<3072x8x128xi32>
    %lt3A = arith.constant 0 : i32
    %lt3A_44 = vector.broadcast %lt3A : i32 to vector<3072x8x128xi32>
    %lt3A_45 = arith.cmpi slt, %rem3A_40, %lt3A_44 : vector<3072x8x128xi32>
    %lt3A_46 = arith.constant 0 : i32
    %lt3A_47 = arith.cmpi slt, %select_n3A_38, %lt3A_46 : i32
    %ne3A_48 = vector.broadcast %lt3A_47 : i1 to vector<3072x8x128xi1>
    %ne3A_49 = vector.broadcast %ne3A_48 : vector<3072x8x128xi1> to vector<3072x8x128xi1>
    %ne3A_50 = arith.xori %lt3A_45, %ne3A_49 : vector<3072x8x128xi1>
    %and3A_51 = arith.andi %ne3A_50, %ne3A_43 : vector<3072x8x128xi1>
    %add3A = vector.broadcast %select_n3A_38 : i32 to vector<3072x8x128xi32>
    %add3A_52 = arith.addi %rem3A_40, %add3A : vector<3072x8x128xi32>
    %select_n3A_53 = arith.select %and3A_51, %add3A_52, %rem3A_40 : vector<3072x8x128xi1>, vector<3072x8x128xi32>
    %eq3A_54 = arith.cmpi eq, %iota3A_11, %select_n3A_53 : vector<3072x8x128xi32>
    %jit3A_55 = arith.constant 0.000000e+00 : f32
    %broadcast_in_dim3A = vector.broadcast %jit3A_55 : f32 to vector<3072x8x128xf32>
    %select_n3A_56 = arith.select %eq3A_54, %get3A_10, %broadcast_in_dim3A : vector<3072x8x128xi1>, vector<3072x8x128xf32>
    %reduce_sum3A = arith.constant dense<0.000000e+00> : vector<3072x128xf32>
    %reduce_sum3A_57 = vector.multi_reduction <add>, %select_n3A_56, %reduce_sum3A [1] : vector<3072x8x128xf32> to vector<3072x128xf32>
    %reshape3A = vector.shape_cast %reduce_sum3A_57 : vector<3072x128xf32> to vector<1024x3x128xf32>
    %get3A_58 = arith.constant 0 : index
    %get3A_59 = arith.constant 0 : index
    %get3A_60 = vector.load %arg2[%get3A_58, %get3A_59] : memref<1024x3xi32, #tpu.memory_space<vmem>>, vector<1024x3xi32>
    %iota3A_61 = tpu.iota {dimensions = array<i32: 2>} : vector<1024x3x128xi32>
    %jit3A_62 = arith.constant 128 : i32
    %div3A_63 = vector.broadcast %jit3A_62 : i32 to vector<1024x3xi32>
    %div3A_64 = arith.divsi %get3A_60, %div3A_63 : vector<1024x3xi32>
    %sign3A_65 = arith.constant 0 : i32
    %sign3A_66 = vector.broadcast %sign3A_65 : i32 to vector<1024x3xi32>
    %sign3A_67 = arith.cmpi sgt, %get3A_60, %sign3A_66 : vector<1024x3xi32>
    %sign3A_68 = arith.extui %sign3A_67 : vector<1024x3xi1> to vector<1024x3xi32>
    %sign3A_69 = arith.constant 0 : i32
    %sign3A_70 = vector.broadcast %sign3A_69 : i32 to vector<1024x3xi32>
    %sign3A_71 = arith.cmpi slt, %get3A_60, %sign3A_70 : vector<1024x3xi32>
    %sign3A_72 = arith.extui %sign3A_71 : vector<1024x3xi1> to vector<1024x3xi32>
    %sign3A_73 = arith.subi %sign3A_68, %sign3A_72 : vector<1024x3xi32>
    %sign3A_74 = arith.constant 0 : i32
    %sign3A_75 = arith.cmpi sgt, %jit3A_62, %sign3A_74 : i32
    %sign3A_76 = arith.extui %sign3A_75 : i1 to i32
    %sign3A_77 = arith.constant 0 : i32
    %sign3A_78 = arith.cmpi slt, %jit3A_62, %sign3A_77 : i32
    %sign3A_79 = arith.extui %sign3A_78 : i1 to i32
    %sign3A_80 = arith.subi %sign3A_76, %sign3A_79 : i32
    %ne3A_81 = vector.broadcast %sign3A_80 : i32 to vector<1024x3xi32>
    %ne3A_82 = arith.cmpi ne, %sign3A_73, %ne3A_81 : vector<1024x3xi32>
    %rem3A_83 = vector.broadcast %jit3A_62 : i32 to vector<1024x3xi32>
    %rem3A_84 = arith.remsi %get3A_60, %rem3A_83 : vector<1024x3xi32>
    %ne3A_85 = arith.constant 0 : i32
    %ne3A_86 = vector.broadcast %ne3A_85 : i32 to vector<1024x3xi32>
    %ne3A_87 = arith.cmpi ne, %rem3A_84, %ne3A_86 : vector<1024x3xi32>
    %and3A_88 = arith.andi %ne3A_82, %ne3A_87 : vector<1024x3xi1>
    %sub3A_89 = arith.constant 1 : i32
    %sub3A_90 = vector.broadcast %sub3A_89 : i32 to vector<1024x3xi32>
    %sub3A_91 = arith.subi %div3A_64, %sub3A_90 : vector<1024x3xi32>
    %select_n3A_92 = arith.select %and3A_88, %sub3A_91, %div3A_64 : vector<1024x3xi1>, vector<1024x3xi32>
    %mul3A = arith.constant 128 : i32
    %mul3A_93 = vector.broadcast %mul3A : i32 to vector<1024x3xi32>
    %mul3A_94 = arith.muli %select_n3A_92, %mul3A_93 : vector<1024x3xi32>
    %min3A = arith.constant 99872 : i32
    %min3A_95 = vector.broadcast %min3A : i32 to vector<1024x3xi32>
    %min3A_96 = arith.minsi %mul3A_94, %min3A_95 : vector<1024x3xi32>
    %sub3A_97 = arith.subi %get3A_60, %min3A_96 : vector<1024x3xi32>
    %broadcast_in_dim3A_98 = vector.shape_cast %sub3A_97 : vector<1024x3xi32> to vector<1024x3x1xi32>
    %eq3A_99 = vector.broadcast %broadcast_in_dim3A_98 : vector<1024x3x1xi32> to vector<1024x3x128xi32>
    %eq3A_100 = arith.cmpi eq, %iota3A_61, %eq3A_99 : vector<1024x3x128xi32>
    %jit3A_101 = arith.constant 0.000000e+00 : f32
    %broadcast_in_dim3A_102 = vector.broadcast %jit3A_101 : f32 to vector<1024x3x128xf32>
    %select_n3A_103 = arith.select %eq3A_100, %reshape3A, %broadcast_in_dim3A_102 : vector<1024x3x128xi1>, vector<1024x3x128xf32>
    %reduce_sum3A_104 = arith.constant dense<0.000000e+00> : vector<1024x3xf32>
    %reduce_sum3A_105 = vector.multi_reduction <add>, %select_n3A_103, %reduce_sum3A_104 [2] : vector<1024x3x128xf32> to vector<1024x3xf32>
    %convert_element_type3A = arith.sitofp %get3A_60 : vector<1024x3xi32> to vector<1024x3xf32>
    %add3A_106 = arith.constant 2.000000e+00 : f32
    %add3A_107 = vector.broadcast %add3A_106 : f32 to vector<1024x3xf32>
    %add3A_108 = arith.addf %convert_element_type3A, %add3A_107 : vector<1024x3xf32>
    %log3A = math.log %add3A_108 : vector<1024x3xf32>
    %add3A_109 = arith.constant 1.000000e+00 : f32
    %add3A_110 = vector.broadcast %add3A_109 : f32 to vector<1024x3xf32>
    %add3A_111 = arith.addf %convert_element_type3A, %add3A_110 : vector<1024x3xf32>
    %log3A_112 = math.log %add3A_111 : vector<1024x3xf32>
    %sub3A_113 = arith.subf %log3A, %log3A_112 : vector<1024x3xf32>
    %log3A_114 = arith.constant 1.000010e+05 : f32
    %log3A_115 = math.log %log3A_114 : f32
    %div3A_116 = vector.broadcast %log3A_115 : f32 to vector<1024x3xf32>
    %div3A_117 = arith.divf %sub3A_113, %div3A_116 : vector<1024x3xf32>
    %sub3A_118 = arith.constant 1.000000e+00 : f32
    %sub3A_119 = vector.broadcast %sub3A_118 : f32 to vector<1024x3xf32>
    %sub3A_120 = arith.subf %sub3A_119, %div3A_117 : vector<1024x3xf32>
    %log3A_121 = math.log %sub3A_120 : vector<1024x3xf32>
    %mul3A_122 = arith.constant 8.192000e+03 : f32
    %mul3A_123 = vector.broadcast %mul3A_122 : f32 to vector<1024x3xf32>
    %mul3A_124 = arith.mulf %mul3A_123, %log3A_121 : vector<1024x3xf32>
    %exp3A = math.exp %mul3A_124 : vector<1024x3xf32>
    %sub3A_125 = arith.constant 1.000000e+00 : f32
    %sub3A_126 = vector.broadcast %sub3A_125 : f32 to vector<1024x3xf32>
    %sub3A_127 = arith.subf %sub3A_126, %exp3A : vector<1024x3xf32>
    %log3A_128 = math.log %sub3A_127 : vector<1024x3xf32>
    %sub3A_129 = arith.subf %reduce_sum3A_105, %log3A_128 : vector<1024x3xf32>
    %get3A_130 = arith.constant 0 : index
    %get3A_131 = arith.constant 0 : index
    %get3A_132 = vector.load %arg0[%get3A_130, %get3A_131] : memref<1024x1xf32, #tpu.memory_space<vmem>>, vector<1024x1xf32>
    %exp3A_133 = math.exp %sub3A_129 : vector<1024x3xf32>
    %reduce_sum3A_134 = arith.constant dense<0.000000e+00> : vector<1024xf32>
    %reduce_sum3A_135 = vector.multi_reduction <add>, %exp3A_133, %reduce_sum3A_134 [1] : vector<1024x3xf32> to vector<1024xf32>
    %broadcast_in_dim3A_136 = vector.shape_cast %reduce_sum3A_135 : vector<1024xf32> to vector<1024x1xf32>
    %add3A_137 = arith.addf %get3A_132, %broadcast_in_dim3A_136 : vector<1024x1xf32>
    %log3A_138 = math.log %add3A_137 : vector<1024x1xf32>
    %reduce_sum3A_139 = arith.constant dense<0.000000e+00> : vector<1024xf32>
    %reduce_sum3A_140 = vector.multi_reduction <add>, %sub3A_129, %reduce_sum3A_139 [1] : vector<1024x3xf32> to vector<1024xf32>
    %broadcast_in_dim3A_141 = vector.shape_cast %reduce_sum3A_140 : vector<1024xf32> to vector<1024x1xf32>
    %div3A_142 = arith.constant 3.000000e+00 : f32
    %div3A_143 = vector.broadcast %div3A_142 : f32 to vector<1024x1xf32>
    %div3A_144 = arith.divf %broadcast_in_dim3A_141, %div3A_143 : vector<1024x1xf32>
    %sub3A_145 = arith.subf %log3A_138, %div3A_144 : vector<1024x1xf32>
    %reduce_sum3A_146 = vector.shape_cast %sub3A_145 : vector<1024x1xf32> to vector<1x1024x1xf32>
    %reduce_sum3A_147 = arith.constant dense<0.000000e+00> : vector<1xf32>
    %reduce_sum3A_148 = vector.multi_reduction <add>, %reduce_sum3A_146, %reduce_sum3A_147 [1, 2] : vector<1x1024x1xf32> to vector<1xf32>
    %reduce_sum3A_149 = vector.shape_cast %reduce_sum3A_148 : vector<1xf32> to vector<1x1x1xf32>
    %reduce_sum3A_150 = vector.extract %reduce_sum3A_149[0, 0, 0] : f32 from vector<1x1x1xf32>
    %div3A_151 = arith.constant 1.024000e+03 : f32
    %div3A_152 = arith.divf %reduce_sum3A_150, %div3A_151 : f32
    %reshape3A_153 = vector.broadcast %div3A_152 : f32 to vector<1x1xf32>
    %swap3A = arith.constant 0 : index
    %swap3A_154 = arith.constant 0 : index
    %swap3A_155 = vector.load %arg4[%swap3A, %swap3A_154] : memref<1x1xf32, #tpu.memory_space<vmem>>, vector<1x1xf32>
    tpu.vector_store %arg4[%swap3A, %swap3A_154], %reshape3A_153 {strides = array<i32>} : memref<1x1xf32, #tpu.memory_space<vmem>>, vector<1x1xf32>,
    return
  }
}

</mosaic_0001>

<sc_bundles>
// kernel: scatter_offload_async_start
scs
__scs_entry_jumppad:
0x0: {  	(pc) =	sbr.rel $0x88, $3  }
0x1: {  	(tag) =	ssettag $0x0;
	lr =	simm.s32 $0x1  }
0x2: {  	[smem:$0x3F9D] =	sst lr;
	_ =	strace $0xD0000000  }
0x3: {  	_ = 	snop  }
0x4: {  	_ = 	snop  }
0x5: {  	_ = 	snop  }
0x6: {  	_ = 	snop  }
0x7: {  	_ = 	snop  }
__scs_overlays_trampoline_lowered:
0x8: {  	[smem:$0x3FAC] =	sst s0  }
0x9: {  	[smem:$0x3FAD] =	sst s1  }
0xa: {  	[smem:$0x3FAE] =	sst s2  }
0xb: {  	[smem:$0x3FAF] =	sst s3  }
0xc: {  	[smem:$0x3FB0] =	sst s4  }
0xd: {  	[smem:$0x3FB1] =	sst s5  }
0xe: {  	[smem:$0x3FB2] =	sst s6  }
0xf: {  	[smem:$0x3FB3] =	sst s7  }
0x10: {  	[smem:$0x3FB4] =	sst s8  }
0x11: {  	[smem:$0x3FB5] =	sst s9;
	s0 =	simm.s32 @!p0 $0x0  }
0x12: {  	s1 =	sld [smem:$0x3F9B];
	s0 =	simm.s32 @p0 $0x1  }
0x13: {  	[smem:$0x3FB6] =	sst s0;
	s0 =	simm.s32 @!p1 $0x0  }
0x14: {  	s2 =	sld [smem:$0x3F9A];
	s0 =	simm.s32 @p1 $0x1  }
0x15: {  	[smem:$0x3FB7] =	sst s0;
	s0 =	simm.s32 @!p2 $0x0  }
0x16: {  	s3 =	sld [smem:$0x3FDB];
	s0 =	simm.s32 @p2 $0x1  }
0x17: {  	s4 =	simm.s32 $0x1BF5;
	[smem:$0x3FB9] =	sst s0  }
0x18: {  	s0 =	sld [smem:$0x3F9C];
	_ =	swait.ge [sflag:s4], $0x0  }
0x19: {  	s7 =	sld [smem:$0x3F9D]  }
0x1a: {  	s8 =	sadd.s32 $0xFFFFE003, lr  }
0x1b: {  	s9 =	sadd.s32 $0xFFFFFEF7, lr;
	s5 =	simm.s32 $0xFFFFFFFF;
	p2 =	slt.u32 s8, $0xFFFFF086  }
0x1c: {  	p1 =	slt.u32 s9, $0xF7A;
	s5 =	simm.s32 @!p2 $0x0  }
0x1d: {  	s5 =	simm.s32 @p1 $0x1;
	p0 =	seq.s32 s7, s2  }
0x1e: {  	s7 =	smul.u32 @!p0 $0xF7A, s2;
	p2 =	seq.s32 @!p0 s5, $0x0  }
0x1f: {  	s9 =	smul.u32 $0xF7A, s1;
	s8 =	simm.s32 @!p0 $0x1BF5;
	p2 =	por !p2, p0  }
0x20: {  	[sflag:s8] =	ssyncset.s32 @!p0 $0xFFFFF086;
	s6 =	sadd.s32 @!p0 s3, s7;
	s7 =	simm.s32 @!p0 $0x108  }
0x21: {  	s3 =	sadd.s32 s3, s9;
	s6 =	sadd.s32 @!p0 $0x88, s6;
	s7 =	simm.s32 @p2 $0x1082  }
0x22: {  	[simem:s7], [sflag:s8] =	dma.local @!p0 [hbm:s6], $0xF7A  }
0x23: {  	s9 =	sor.u32 $0xD0000000, s2;
	s6 =	simm.s32 $0x108;
	_ =	swait.ge @!p0 [sflag:s8], $0x0  }
0x24: {  	s3 =	sadd.s32 $0x88, s3;
	s6 =	simm.s32 @!p1 $0x1082;
	[sflag:s4] =	ssyncset.s32 $0xFFFFF086  }
0x25: {  	[simem:s6], [sflag:s4] =	dma.local [hbm:s3], $0xF7A  }
0x26: {  	[smem:$0x3F9D] =	sst s1;
	(tag) =	ssettag s2;
	_ =	strace s9  }
0x27: {  	s1 =	sld [smem:$0x3FAD]  }
0x28: {  	s2 =	sld [smem:$0x3FAE]  }
0x29: {  	s4 =	sld [smem:$0x3FB0]  }
0x2a: {  	p0 =	seq.s32 s5, $0x0;
	s5 =	sld [smem:$0x3FB1]  }
0x2b: {  	s6 =	sld [smem:$0x3FB2]  }
0x2c: {  	s7 =	sld [smem:$0x3FB3]  }
0x2d: {  	s3 =	simm.s32 $0x108;
	s8 =	sld [smem:$0x3FB4]  }
0x2e: {  	s3 =	simm.s32 @!p0 $0x1082;
	s9 =	sld [smem:$0x3FB5]  }
0x2f: {  	lr =	sadd.s32 s0, s3;
	s0 =	sld [smem:$0x3FAC]  }
0x30: {  	s3 =	sld [smem:$0x3FAF]  }
0x31: {  	[smem:$0x3FB8] =	sst s10  }
0x32: {  	s10 =	sld [smem:$0x3FB6];
	_ =	sdelay $0x3  }
0x33: {  	p0 =	seq.s32 s10, $0x1;
	s10 =	sld [smem:$0x3FB8];
	_ =	sdelay $0x3  }
0x34: {  	[smem:$0x3FB8] =	sst s10  }
0x35: {  	s10 =	sld [smem:$0x3FB7];
	_ =	sdelay $0x3  }
0x36: {  	p1 =	seq.s32 s10, $0x1;
	s10 =	sld [smem:$0x3FB8];
	_ =	sdelay $0x3  }
0x37: {  	[smem:$0x3FB8] =	sst s10  }
0x38: {  	s10 =	sld [smem:$0x3FB9]  }
0x39: {  	_ = 	snop;
	(pc) =	sbr.ind lr, $3  }
0x3a: {  	_ = 	snop  }
0x3b: {  	_ = 	snop  }
0x3c: {  	p2 =	seq.s32 s10, $0x1;
	s10 =	sld [smem:$0x3FB8]  }
0x3d: {  	_ =	shalt  }
0x3e: {  	_ =	shalt  }
0x3f: {  	_ =	shalt  }
0x40: {  	_ =	shalt  }
0x41: {  	_ =	shalt  }
0x42: {  	_ =	shalt  }
0x43: {  	_ =	shalt  }
0x44: {  	_ =	shalt  }
0x45: {  	_ =	shalt  }
0x46: {  	_ =	shalt  }
0x47: {  	_ =	shalt  }
0x48: {  	_ =	shalt  }
0x49: {  	_ =	shalt  }
0x4a: {  	_ =	shalt  }
0x4b: {  	_ =	shalt  }
0x4c: {  	_ =	shalt  }
0x4d: {  	_ =	shalt  }
0x4e: {  	_ =	shalt  }
0x4f: {  	_ =	shalt  }
0x50: {  	_ =	shalt  }
0x51: {  	_ =	shalt  }
0x52: {  	_ =	shalt  }
0x53: {  	_ =	shalt  }
0x54: {  	_ =	shalt  }
0x55: {  	_ =	shalt  }
0x56: {  	_ =	shalt  }
0x57: {  	_ =	shalt  }
0x58: {  	_ =	shalt  }
0x59: {  	_ =	shalt  }
0x5a: {  	_ =	shalt  }
0x5b: {  	_ =	shalt  }
0x5c: {  	_ =	shalt  }
0x5d: {  	_ =	shalt  }
0x5e: {  	_ =	shalt  }
0x5f: {  	_ =	shalt  }
0x60: {  	_ =	shalt  }
0x61: {  	_ =	shalt  }
0x62: {  	_ =	shalt  }
0x63: {  	_ =	shalt  }
0x64: {  	_ =	shalt  }
0x65: {  	_ =	shalt  }
0x66: {  	_ =	shalt  }
0x67: {  	_ =	shalt  }
0x68: {  	_ =	shalt  }
0x69: {  	_ =	shalt  }
0x6a: {  	_ =	shalt  }
0x6b: {  	_ =	shalt  }
0x6c: {  	_ =	shalt  }
0x6d: {  	_ =	shalt  }
0x6e: {  	_ =	shalt  }
0x6f: {  	_ =	shalt  }
0x70: {  	_ =	shalt  }
0x71: {  	_ =	shalt  }
0x72: {  	_ =	shalt  }
0x73: {  	_ =	shalt  }
0x74: {  	_ =	shalt  }
0x75: {  	_ =	shalt  }
0x76: {  	_ =	shalt  }
0x77: {  	_ =	shalt  }
0x78: {  	_ =	shalt  }
0x79: {  	_ =	shalt  }
0x7a: {  	_ =	shalt  }
0x7b: {  	_ =	shalt  }
0x7c: {  	_ =	shalt  }
0x7d: {  	_ =	shalt  }
0x7e: {  	_ =	shalt  }
0x7f: {  	_ =	shalt  }
0x80: {  	_ =	shalt  }
0x81: {  	_ =	shalt  }
0x82: {  	_ =	shalt  }
0x83: {  	_ =	shalt  }
0x84: {  	_ =	shalt  }
0x85: {  	_ =	shalt  }
0x86: {  	_ =	shalt  }
0x87: {  	_ =	shalt  }
.Lfunc_end0:
.L_simem_size_0:
called_computation_lowered:
.L_overlay_start_0:
0x88: {  	s0 =	sld [smem:$0x3FD9]  }
0x89: {  	s1 =	sld [smem:$0x3FFE];
	_ =	sdelay $0x3  }
0x8a: {  	s0 =	sadd.s32 s1, s0  }
0x8b: {  	[smem:$0x3FC4] =	sst s0  }
0x8c: {  	_ = 	snop  }
0x8d: {  	(tm) =	ssettm $0x1  }
0x8e: {  	s15 =	sld [smem:$0x3FFB];
	_ =	sdelay $0x3  }
0x8f: {  	_ =	strace s15  }
0x90: {  	s0 =	sld [smem:$0x3FFC];
	_ =	sdelay $0x3  }
0x91: {  	_ =	strace s0  }
0x92: {  	s0 =	sld [smem:$0x3FFD];
	_ =	sdelay $0x3  }
0x93: {  	_ =	strace s0  }
0x94: {  	_ =	strace $0x8FFFFFFF  }
0x95: {  	s16 =	sld [smem:$0x3FDB];
	_ =	sdelay $0x1  }
0x96: {  	s17 =	simm.s32 $_scs_section_size  }
0x97: {  	s2 =	simm.s32 $_size__tile_overlayer_lowered;
	s3 =	simm.s32 $_tile_overlayer_lowered  }
0x98: {  	s20 =	simm.s32 $0x1BFF;
	s19 =	sshll.u32 s3, $0x1;
	s0 =	sadd.s32 s17, s16  }
0x99: {  	s4 =	simm.s32 $0x0;
	s18 =	sshll.u32 s2, $0x1;
	s2 =	sadd.s32 s19, s0  }
0x9a: {  	[timem:s4], [sflag:s20] =	dma.local [hbm:s2], s18  }
0x9b: {  	_ =	swait.ge [sflag:s20], s18  }
0x9c: {  	s1 =	ssub.s32 $0x0, s18;
	[sflag:s20] =	ssyncset.done $0x0  }
0x9d: {  	[sflag:s20] =	ssyncadd.s32 s1;
	_ =	sdelay $0x1  }
0x9e: {  	s21 =	simm.s32 $0x1B8B  }
0x9f: {  	_ =	swait.ge [sflag:s21], $0x1  }
0xa0: {  	[sflag:s21] =	ssyncset.done $0x0  }
0xa1: {  	s23 =	simm.s32 $0x1B8E;
	s22 =	sld [smem:$0x3FFE];
	[sflag:s21] =	ssyncadd.s32 $0xFFFFFFFF  }
0xa2: {  	s24 =	simm.s32 $execute0_lowered;
	[smem:$0x3FD2] =	sst s23  }
0xa3: {  	s2 =	sshll.u32 s24, $0x1;
	_ =	strace $0x80000046;
	[dreg:$0x1] =	wrdreg $0xFFFFFFFF  }
0xa4: {  	s25 =	simm.s32 $_size_execute0_lowered;
	s0 =	sadd.s32 s0, s2;
	[dreg:$0x0] =	wrdreg $0x0  }
0xa5: {  	s2 =	sshll.u32 s25, $0x1;
	[dreg:$0x2] =	wrdreg s0  }
0xa6: {  	[dreg:$0x3] =	wrdreg s2  }
0xa7: {  	[dreg:$0x4] =	wrdreg $0xC0  }
0xa8: {  	_ =	task [dreg:s4], $0x5FFFF  }
0xa9: {  	[dreg:$0x1] =	wrdreg $0xFFFFFFFF  }
0xaa: {  	[dreg:$0x0] =	wrdreg $0x60  }
0xab: {  	[dreg:$0x2] =	wrdreg s22  }
0xac: {  	[dreg:$0x3] =	wrdreg $0x9  }
0xad: {  	_ =	task.clear_ibuf [dreg:s4], $0x4FFFF;
	_ =	strace $0x90000046  }
0xae: {  	s26 =	simm.s32 $0x9;
	_ =	strace $0x80000048  }
0xaf: {  	_ =	swait.ge [sflag:s26], $0x1  }
0xb0: {  	[sflag:s26] =	ssyncadd.s32 $0xFFFFFFFF  }
0xb1: {  	_ =	strace $0x90000048  }
0xb2: {  	_ =	sfence  }
0xb3: {  	s28 =	sld [smem:$0x0];
	_ =	sdelay $0x1  }
0xb4: {  	s29 =	srdreg.scid  }
0xb5: {  	s30 =	sshll.u32 s29, $0xD;
	s31 =	sshrl.u32 s29, $0x2  }
0xb6: {  	s1 =	sand.u32 $0x1, s29;
	s2 =	sand.u32 $0x4000, s30;
	s0 =	sadd.s32 s31, s28  }
0xb7: {  	s1 =	sor.u32 s2, s1;
	s0 =	sshll.u32 s0, $0x11  }
0xb8: {  	s0 =	sor.u32 s0, s1  }
0xb9: {  	s0 =	sadd.s32 $0x8F2B, s0  }
0xba: {  	[sflag:s0] =	ssyncadd.remote.s32 $0x1  }
0xbb: {  	_ =	sfence.sel $0xFFFF  }
0xbc: {  	[dreg:$0x0] =	wrdreg $0xFFFFFFFF;
	(pc) =	sbr.abs _section_cstart, $3  }
0xbd: {  	[dreg:$0x1] =	wrdreg $0xFFFFFFFF  }
0xbe: {  	_ =	task.clear_ibuf [dreg:s4], $0x2FFFF;
	_ =	strace $0x9FFFFFFF  }
0xbf: {  	(tm) =	ssettm $0x7FFFFFFF  }
tec
execute0_lowered:
.L_overlay_start_1:
0x0: {  	(tag) =	ssettag $0x1  }
0x1: {  	s0 =	rddreg [dreg:$0x0];
	_ =	strace $0x80000047;
	s3 =	simm.s32 $0x1  }
0x2: {  	v1 =	vimm.s32 $0xFFFFFFFF;
	[sflag:s3] =	ssyncpa.u1 $0x0  }
0x3: {  	[tilespmem:$0x10] =	vst v1  }
0x4: {  	v0 =	vimm.f32 $0.0e+00;
	[tilespmem:$0x20] =	vst v1  }
0x5: {  	[tilespmem:$0x30] =	vst v0  }
0x6: {  	s2 =	simm.s32 $0x2;
	s6 =	simm.s32 $0x7;
	s26 =	stileid.u32;
	[tilespmem:$0x40] =	vst v0  }
0x7: {  	s7 =	simm.s32 $0x8;
	s31 =	simm.s32 $0x9;
	s14 =	simm.s32 $0x0;
	[tilespmem:$0x50] =	vst v0  }
0x8: {  	s15 =	simm.s32 $0x100;
	s18 =	simm.s32 $0x10;
	s19 =	simm.s32 $0x1300;
	[tilespmem:$0x60] =	vst v1  }
0x9: {  	s20 =	simm.s32 $0xF;
	s21 =	simm.s32 $0x50;
	s22 =	simm.s32 $0x8FF;
	[tilespmem:$0x70] =	vst v1  }
0xa: {  	s23 =	simm.s32 $0x20;
	s24 =	simm.s32 $0x30;
	s25 =	simm.s32 $0x10FF;
	[tilespmem:$0x80] =	vst v1  }
0xb: {  	s30 =	simm.s32 $0x0;
	s29 =	simm.s32 $0x0;
	s1 =	sadd.s32 $0x4A00, s0;
	v1 =	vimm.s32 $0x0;
	[tilespmem:$0xB0] =	vst v0  }
.Ltmp0:
0xc: {  	s4 =	sadd.s32 $0x4200, s0;
	s5 =	sadd.s32 $0x4600, s0;
	[tilespmem:$0x90] =	vst v1;
	(pc) =	sbr.rel .LBB2_1-.Ltmp0, $4  }
0xd: {  	s8 =	sshll.u32 s26, $0x9;
	s10 =	sshll.u32 s26, $0x1;
	[tilespmem:$0xA0] =	vst v1;
	[sflag:s2] =	ssyncpa.u1 $0x0  }
0xe: {  	s12 =	sshllo.u32 s26, $0x1;
	s26 =	simm.s32 $0x80;
	[sflag:s6] =	ssyncpa.u1 $0x0  }
0xf: {  	vm0 =	vmmov $0xffff;
	v2 =	vlaneseq.u32;
	s9 =	sadd.s32 $0x200, s8;
	s11 =	sor.u32 $0x81, s10;
	[sflag:s7] =	ssyncpa.u1 $0x0  }
0x10: {  	vm1 =	vmxor vm1, vm1;
	vm2 =	vmmov $0x1;
	vm3 =	vcmask $0x3F3C;
	s13 =	sor.u32 $0x80, s10;
	s28 =	smov.u32 s8;
	[sflag:s31] =	ssyncpa.u1 $0x0  }
.LBB2_3:
0x11: {  	s0 =	sshrl.u32 s28, $0x3  }
0x12: {  	s2 =	sand.u32 $0x7, s28;
	s0 =	sadd.s32 s4, s0  }
0x13: {  	[tilespmem:s15], [sflag:$0x7] =	stream.linear.gather [hbm4b:s0+s2], $0x200, $0x38;
	[tilespmem:$0x1320] =	vst v63  }
.LBB2_4:
0x14: {  	s0 =	sadd.s32 $0x200, s28  }
0x15: {  	s2 =	smov.u32 s8;
	s29 =	sadd.s32 $0x1, s29;
	p0 =	slt.s32 s0, s9  }
0x16: {  	s2 =	smov.u32 @p0 s0;
	p0 =	sne.s32 s29, $0x4  }
.Ltmp1:
0x17: {  	_ = 	snop;
	(pc) =	sbr.rel @!p0 .LBB2_13-.Ltmp1, $2  }
0x18: {  	_ =	sdelay $0x2  }
0x19: {  	s30 =	smov.u32 s28;
	s28 =	smov.u32 s2  }
.LBB2_1:
0x1a: {  	p0 =	sgt.s32 s29, $0x1  }
.Ltmp2:
0x1b: {  	_ = 	snop;
	(pc) =	sbr.rel @p0 .LBB2_11-.Ltmp2, $1  }
0x1c: {  	_ =	sdelay $0x3  }
0x1d: {  	p0 =	seq.s32 s29, $0x0  }
.Ltmp3:
0x1e: {  	_ = 	snop;
	(pc) =	sbr.rel @p0 .LBB2_3-.Ltmp3, $1  }
0x1f: {  	_ =	sdelay $0x3  }
0x20: {  	_ =	swait.ge [sflag:s6], $0x200  }
0x21: {  	[sflag:s6] =	ssyncset.done $0x0  }
0x22: {  	[sflag:s6] =	ssyncadd.s32 $0xFFFFFE00;
	(ifvalue) =	ssetifvalue $0xFFFFFFFF;
	v3 =	vld.msk [tilespmem:s15+$0x0 ss:$0x1], $0xffff;
	_ =	sdelay $0x4  }
0x23: {  	v4 =	vperm.xlane v3, v1  }
0x24: {  	vm4 =	vlt.u32 v3, $0x18800  }
0x25: {  	v3 =	vnsel vm4, $0xFFFFFFFE, v3;
	vm4 =	vlt.u32 v4, $0x18800  }
0x26: {  	[tilespmem:$0x70] =	vst v3;
	v3 =	vnsel vm4, $0xFFFFFFFE, v4  }
0x27: {  	s17 =	simm.s32 $0x2F0;
	[tilespmem:$0x80] =	vst v3  }
0x28: {  	v3 =	vld.msk [tilespmem:s17+$0x0 ss:$0x1], $0xffff;
	_ =	sdelay $0x4  }
0x29: {  	(xrf1) =	vunique.msk.u32 $0xffff, v3;
	_ =	sdelay $0xd  }
0x2a: {  	v4 =	vimm.s32 $0xFFFFFFFF;
	v5, _, _ =	vpop (xrf1)  }
0x2b: {  	vm5 =	vne.s32 v3, v4;
	vm4 =	veq.s32 v5, v2  }
0x2c: {  	vm6 =	vlt.u32 v3, $0x18800;
	vm4 =	vmand vm5, vm4  }
0x2d: {  	vm4 =	vmand vm6, vm4  }
0x2e: {  	v4 =	vnsel vm4, $0xFFFFFFFF, v3;
	_ =	sdelay $0x3  }
0x2f: {  	s0 =	simm.s32 $0x8F0;
	(ifvalue) =	ssetifvalue $0xFFFFFFFF  }
0x30: {  	v3 =	vperm.xlane v3, v1;
	[tilespmem:s0], [sflag:$0x8] =	stream.indirect_vreg.gather [hbm4b:s1+s14], $0x1, v4, vm0, $0x4038;
	v4 =	vnsel vm6, $0xFFFFFFFE, v4;
	[tilespmem:$0x1320] =	vst v63  }
0x31: {  	s2 =	simm.s32 $0x0;
	s16 =	simm.s32 $0x2E0;
	[tilespmem:s17+$0x0] =	vst v4  }
.LBB2_6:
0x32: {  	v4 =	vld.msk [tilespmem:s16+$0x0 ss:$0x1], $0xffff;
	s2 =	sadd.s32 $0x10, s2;
	v5 =	vmov v3;
	s17 =	smov.u32 s16  }
0x33: {  	p0 =	slt.u32 s2, $0x1F0;
	_ =	sdelay $0x4  }
0x34: {  	v3 =	vperm.xlane v4, v1;
	(xrf1) =	vunique.msk.u32 $0xffff, v4;
	_ =	sdelay $0xd  }
0x35: {  	v6, _, _ =	vpop (xrf1)  }
0x36: {  	vm5 =	vne.s32 v4, v5;
	vm4 =	veq.s32 v6, v2  }
0x37: {  	vm6 =	vlt.u32 v4, $0x18800;
	vm4 =	vmand vm5, vm4  }
0x38: {  	vm4 =	vmand vm6, vm4  }
0x39: {  	v4 =	vnsel vm4, $0xFFFFFFFF, v4  }
.Ltmp4:
0x3a: {  	v5 =	vnsel vm6, $0xFFFFFFFE, v4;
	(pc) =	sbr.rel @p0 .LBB2_6-.Ltmp4, $3  }
0x3b: {  	_ =	sdelay $0x1  }
0x3c: {  	s16 =	sadd.s32 $0xFFFFFFF0, s16;
	s0 =	sadd.s32 $0xFFFFFFF0, s0;
	(ifvalue) =	ssetifvalue $0xFFFFFFFF  }
0x3d: {  	[tilespmem:s0], [sflag:$0x8] =	stream.indirect_vreg.gather [hbm4b:s1+s14], $0x1, v4, vm0, $0x4038;
	[tilespmem:s17+$0x0] =	vst v5  }
.Ltmp5:
0x3e: {  	(pc) =	sbr.rel .LBB2_4-.Ltmp5, $4  }
0x3f: {  	_ = 	snop  }
0x40: {  	s0 =	sshrl.u32 s30, $0x3  }
0x41: {  	s2 =	simm.s32 $0xB00;
	s0 =	sadd.s32 s5, s0  }
0x42: {  	[tilespmem:s2], [sflag:$0x8] =	stream.linear.gather [hbm:s0], $0x200, $0x38;
	[tilespmem:$0x1320] =	vst v63  }
.LBB2_11:
0x43: {  	p0 =	seq.s32 s29, $0x2  }
.Ltmp6:
0x44: {  	_ = 	snop;
	(pc) =	sbr.rel @!p0 .LBB2_12-.Ltmp6, $1  }
0x45: {  	_ =	sdelay $0x3  }
0x46: {  	_ =	swait.ge [sflag:s7], $0x400  }
0x47: {  	[sflag:s7] =	ssyncset.done $0x0  }
0x48: {  	s0 =	simm.s32 $0x2FF;
	[sflag:s7] =	ssyncadd.s32 $0xFFFFFC00  }
0x49: {  	[spmem:s11] =	stream.linear.scatter [tilespmem:s0], [sflag:$0x1], $0x1, $0x38;
	[tilespmem:$0x1320] =	vst v63  }
0x4a: {  	_ =	swait.ge [sflag:s3], $0x1  }
0x4b: {  	[sflag:s3] =	ssyncset.done $0x0  }
0x4c: {  	[sflag:s3] =	ssyncadd.s32 $0xFFFFFFFF  }
0x4d: {  	v4 =	vld [tilespmem:$0x10]  }
0x4e: {  	v5 =	vld [tilespmem:$0x70]  }
0x4f: {  	v3 =	vld [tilespmem:$0x80];
	_ =	sdelay $0x2  }
0x50: {  	(v2sf) =	vpush v4, $0x0  }
0x51: {  	(v2sf) =	vpush v5, $0x0  }
0x52: {  	(v2sf) =	vpush v3, $0x0;
	_ =	sdelay $0xc  }
0x53: {  	s16 =	spop (v2sf)  }
0x54: {  	s2 =	spop (v2sf)  }
0x55: {  	s30 =	spop (v2sf)  }
0x56: {  	p0 =	seq.s32 s16, s2;
	p1 =	seq.s32 s30, s16  }
0x57: {  	p1 =	por p0, p1  }
0x58: {  	v4 =	vpsel p1, $0xFFFFFFFF, v4  }
0x59: {  	[tilespmem:s18+$0x0] =	vst.msk $0x1, v4  }
0x5a: {  	v4 =	vld [tilespmem:$0x30]  }
0x5b: {  	v5 =	vld [tilespmem:$0xB00]  }
0x5c: {  	v6 =	vld [tilespmem:$0x40];
	_ =	sdelay $0x3  }
0x5d: {  	vm4 =	vmmov vm1;
	v5 =	vadd.f32 v5, v4  }
0x5e: {  	vm5 =	vmmov vm2;
	s31 =	simm.s32 $0xB00;
	vm4 =	vmmov @p0 vm2;
	v4 =	vadd.f32 v6, v4  }
0x5f: {  	vm5 =	vmmov @p1 vm1;
	[tilespmem:s31+$0x0] =	vst.msk vm4, v5  }
0x60: {  	[tilespmem:s19+$0x0] =	vst.msk vm5, v4  }
0x61: {  	v4 =	vld [tilespmem:$0x8F0];
	_ =	sdelay $0x3  }
0x62: {  	v5 =	vimm.f32 $0.0e+00  }
0x63: {  	v4 =	vshift.insert v4, v5, s20;
	_ =	sdelay $0x1  }
0x64: {  	[tilespmem:s21+$0x0] =	vst.msk $0x1, v4  }
0x65: {  	[tilespmem:s22+$0x0] =	vst.msk $0x1, v5  }
0x66: {  	v4 =	vld [tilespmem:$0x2F0];
	_ =	sdelay $0x4  }
0x67: {  	v4 =	vshift.insert v4, v1, s20;
	_ =	sdelay $0x1  }
0x68: {  	[tilespmem:s23+$0x0] =	vst.msk $0x1, v4  }
0x69: {  	s17 =	simm.s32 $0x100;
	v6 =	vld [tilespmem:s31+$0x0]  }
0x6a: {  	v7 =	vld [tilespmem:s17+$0x0];
	_ =	sdelay $0x3  }
0x6b: {  	v5 =	vadd.f32 v6, v5  }
0x6c: {  	vm4 =	vne.s32 v7, $0xFFFFFFFF  }
0x6d: {  	(xrf2) =	vadd.seg.scan.f32 vm4, v5;
	_ =	sdelay $0x3  }
0x6e: {  	s0 =	simm.s32 $0x700;
	v5 =	vperm.xlane v4, v1  }
0x6f: {  	v6 =	vld [tilespmem:s0+$0x0]  }
0x70: {  	vm5 =	veq.s32 v7, v3;
	vm6 =	veq.s32 v7, v5  }
0x71: {  	vm7 =	vgt.u32 v7, $0xFFFFFFFD;
	vm6 =	vmor vm6, vm5  }
0x72: {  	vm6 =	vmor vm6, vm7  }
0x73: {  	v9 =	vld [tilespmem:$0xA0];
	v7 =	vsel vm6, $0xFFFFFFFF, v7  }
0x74: {  	v10 =	vld [tilespmem:$0x90];
	v6 =	vsel vm5, $0x0, v6;
	v8, _, _ =	vpop (xrf2)  }
0x75: {  	v6 =	vadd.f32 v8, v6  }
0x76: {  	s2 =	simm.s32 $0xF00  }
0x77: {  	vm4 =	vmand vm4, vm3;
	[tilespmem:s2+$0x0] =	vst v6;
	(ifvalue) =	ssetifvalue $0xFFFFFFFF  }
0x78: {  	vm6 =	veq.s32 v9, $0x1;
	[hbm4b:s1+s14] =	stream.indirect_vreg.scatter [tilespmem:s2], [sflag:$0x2], $0x1, v7, vm0, $0x4038;
	v7 =	vsel vm4, $0x0, v8;
	[tilespmem:$0x1320] =	vst v63  }
0x79: {  	s16 =	simm.s32 $0x0;
	s17 =	simm.s32 $0x110;
	vm4 =	vmor vm6, vm5;
	v6 =	vsel vm5, v8, v10;
	v7 =	vshift.insert v7, v0, s20  }
.LBB2_9:
0x7a: {  	v8 =	vld [tilespmem:s17+$0x0];
	s31 =	sadd.s32 $0x10, s31  }
0x7b: {  	s0 =	sadd.s32 $0x10, s0;
	v9 =	vld [tilespmem:s31+$0x0]  }
0x7c: {  	s16 =	sadd.s32 $0x10, s16;
	v10 =	vld [tilespmem:s0+$0x0]  }
0x7d: {  	p0 =	slt.u32 s16, $0x1F0;
	_ =	sdelay $0x2  }
0x7e: {  	v7 =	vadd.f32 v9, v7  }
0x7f: {  	vm5 =	vne.s32 v8, $0xFFFFFFFF  }
0x80: {  	vm6 =	vmand vm5, vm3;
	(xrf2) =	vadd.seg.scan.f32 vm5, v7;
	_ =	sdelay $0x5  }
0x81: {  	vm7 =	veq.s32 v8, v5;
	vm5 =	veq.s32 v8, v3  }
0x82: {  	vm8 =	vgt.u32 v8, $0xFFFFFFFD;
	vm4 =	vmor vm4, vm5;
	vm7 =	vmor vm7, vm5  }
0x83: {  	vm7 =	vmor vm7, vm8  }
0x84: {  	v8 =	vsel vm7, $0xFFFFFFFF, v8  }
.Ltmp7:
0x85: {  	v7 =	vsel vm5, $0x0, v10;
	v9, _, _ =	vpop (xrf2);
	(pc) =	sbr.rel @p0 .LBB2_9-.Ltmp7, $4  }
0x86: {  	v6 =	vsel vm5, v9, v6;
	v10 =	vadd.f32 v9, v7;
	v7 =	vsel vm6, $0x0, v9  }
0x87: {  	s2 =	sadd.s32 $0x10, s2;
	v7 =	vshift.insert v7, v0, s20  }
0x88: {  	s17 =	sadd.s32 $0x10, s17;
	[tilespmem:s2+$0x0] =	vst v10;
	(ifvalue) =	ssetifvalue $0xFFFFFFFF  }
0x89: {  	[hbm4b:s1+s14] =	stream.indirect_vreg.scatter [tilespmem:s2], [sflag:$0x2], $0x1, v8, vm0, $0x4038;
	[tilespmem:$0x1320] =	vst v63  }
0x8a: {  	v3 =	vld [tilespmem:$0x10F0];
	_ =	sdelay $0x4  }
0x8b: {  	v3 =	vshift.insert v3, v0, s20;
	_ =	sdelay $0x1  }
0x8c: {  	[tilespmem:s24+$0x0] =	vst.msk $0x1, v3  }
0x8d: {  	v3 =	vsel vm4, $0x1, v1;
	[tilespmem:$0x90] =	vst v6  }
0x8e: {  	[tilespmem:$0xA0] =	vst v3  }
0x8f: {  	[spmem:s12] =	stream.linear.scatter [tilespmem:s25], [sflag:$0x1], $0x1, $0x38;
	[tilespmem:$0x1320] =	vst v63  }
0x90: {  	v3 =	vmctz.xlane vm4;
	_ =	swait.ge [sflag:s3], $0x1  }
0x91: {  	(v2sf) =	vpush v4, $0x0  }
0x92: {  	(v2sf) =	vpush v3, $0x0;
	_ =	sdelay $0xd  }
0x93: {  	s0 =	spop (v2sf)  }
0x94: {  	s2 =	spop (v2sf)  }
0x95: {  	[sflag:s3] =	ssyncset.done $0x0;
	p0 =	sne.s32 s30, s0;
	p1 =	slt.s32 s2, $0xF  }
0x96: {  	[sflag:s3] =	ssyncadd.s32 $0xFFFFFFFF;
	v3 =	vimm.s32 @!p0 $0xFFFFFFFF;
	s2 =	simm.s32 @!p1 $0xF  }
0x97: {  	[tilespmem:$0x80] =	vst @!p0 v3;
	s31 =	sadd.s32 $0x90, s2  }
0x98: {  	[spmem:s10] =	stream.linear.scatter [tilespmem:s31], [sflag:$0x1], $0x1, $0x38;
	[tilespmem:$0x1320] =	vst v63  }
0x99: {  	_ =	swait.ge [sflag:s3], $0x1  }
0x9a: {  	[sflag:s3] =	ssyncset.done $0x0  }
0x9b: {  	[sflag:s3] =	ssyncadd.s32 $0xFFFFFFFF  }
0x9c: {  	[spmem:s13] =	stream.linear.scatter [tilespmem:s26], [sflag:$0x1], $0x1, $0x38;
	[tilespmem:$0x1320] =	vst v63  }
0x9d: {  	_ =	swait.ge [sflag:s3], $0x1  }
0x9e: {  	[sflag:s3] =	ssyncset.done $0x0  }
0x9f: {  	[sflag:s3] =	ssyncadd.s32 $0xFFFFFFFF;
	(ifvalue) =	ssetifvalue $0xFFFFFFFF;
	v3 =	vld [tilespmem:$0x10];
	_ =	sdelay $0x3  }
.Ltmp8:
0xa0: {  	_ = 	snop;
	(pc) =	sbr.rel .LBB2_4-.Ltmp8, $3  }
0xa1: {  	_ =	sdelay $0x1  }
0xa2: {  	(ifvalue) =	ssetifvalue $0xFFFFFFFF  }
0xa3: {  	[hbm4b:s1+s14] =	stream.indirect_vreg.scatter [tilespmem:s19], [sflag:$0x9], $0x1, v3, vm0, $0x4038;
	[tilespmem:$0x1320] =	vst v63  }
.LBB2_12:
0xa4: {  	s0 =	simm.s32 $0x2  }
0xa5: {  	_ =	swait.ge [sflag:s0], $0x200  }
0xa6: {  	[sflag:s0] =	ssyncset.done $0x0  }
0xa7: {  	s31 =	simm.s32 $0x9;
	[sflag:s0] =	ssyncadd.s32 $0xFFFFFE00  }
0xa8: {  	_ =	swait.ge [sflag:s31], $0x10  }
0xa9: {  	[sflag:s31] =	ssyncset.done $0x0  }
0xaa: {  	[sflag:s31] =	ssyncadd.s32 $0xFFFFFFF0  }
.LBB2_13:
0xab: {  	_ =	sfence.sel $0x180000  }
0xac: {  	s0 =	simm.s32 $0x7;
	[bflag:$0x0] =	sbarrier.arrive $0xFFFF  }
0xad: {  	s26 =	simm.s32 $0x8;
	[sflag:s0] =	ssyncpa.u1 $0x1  }
0xae: {  	s28 =	simm.s32 $0x9;
	[sflag:s26] =	ssyncpa.u1 $0x1  }
0xaf: {  	[sflag:s28] =	ssyncpa.u1 $0x1  }
0xb0: {  	_ =	sfence.stream.spmem  }
0xb1: {  	s29 =	simm.s32 $0x3;
	[bflag:$0x0] =	sbarrier.arrive $0xFFFF  }
0xb2: {  	s30 =	simm.s32 $0x4;
	[sflag:s29] =	ssyncpa.u1 $0x1  }
0xb3: {  	s31 =	simm.s32 $0x3C;
	s2 =	stileid.u32;
	[sflag:s30] =	ssyncpa.u1 $0x1  }
0xb4: {  	p0 =	sne.s32 s2, $0x0;
	[sflag:s31] =	ssyncpa.u1 $0x1  }
0xb5: {  	s0 =	simm.s32 @p0 $0x1;
	_ =	sfence @p0  }
0xb6: {  	[sflag:s0] =	ssyncpa.u1 @p0 $0x1;
	s0 =	simm.s32 @p0 $0x2  }
0xb7: {  	[sflag:s0] =	ssyncpa.u1 @p0 $0x1  }
0xb8: {  	_ =	strace @p0 $0x90000047  }
0xb9: {  	[bflag:$0x2] =	sbarrier.arrive @p0 $0xFFFF  }
0xba: {  	_ =	shalt @p0  }
.LBB2_14:
0xbb: {  	_ =	sfence.stream.spmem;
	s0 =	simm.s32 $0x5  }
0xbc: {  	s2 =	simm.s32 $0x80;
	s3 =	simm.s32 $0xC0;
	[sflag:s0] =	ssyncpa.u1 $0x0  }
0xbd: {  	[tilespmem:s3], [sflag:$0x5] =	stream.linear.gather [spmem:s2], $0x20, $0x38;
	[tilespmem:$0x1320] =	vst v63  }
0xbe: {  	s2 =	simm.s32 $0x0;
	s3 =	simm.s32 $0xE0  }
0xbf: {  	[tilespmem:s3], [sflag:$0x5] =	stream.linear.gather [spmem:s2], $0x20, $0x38;
	[tilespmem:$0x1320] =	vst v63  }
.Ltmp9:
0xc0: {  	_ = 	snop;
	(pc) =	sbr.rel .LBB2_15-.Ltmp9, $4  }
0xc1: {  	_ =	swait.ge [sflag:s0], $0x40  }
0xc2: {  	[sflag:s0] =	ssyncset.done $0x0  }
0xc3: {  	s31 =	simm.s32 $0x6;
	[sflag:s0] =	ssyncadd.s32 $0xFFFFFFC0  }
0xc4: {  	s4 =	simm.s32 $0x0;
	[sflag:s31] =	ssyncpa.u1 $0x0  }
.LBB2_20:
0xc5: {  	p0 =	sgt.u32 s0, $0x187FF  }
0xc6: {  	s5 =	sshrl.u32 @!p0 s0, $0x3  }
0xc7: {  	s0 =	sand.u32 @!p0 $0x7, s0;
	s6 =	simm.s32 @!p0 $0xB0;
	s5 =	sadd.s32 @!p0 s1, s5  }
0xc8: {  	[tilespmem:s6], [sflag:$0x6] =	stream.linear.gather @!p0 [hbm4b:s5+s0], $0x1, $0x38;
	[tilespmem:$0x1320] =	vst v63  }
0xc9: {  	s0 =	simm.s32 @!p0 $0x6  }
0xca: {  	_ =	swait.ge @!p0 [sflag:s0], $0x1  }
0xcb: {  	[sflag:s0] =	ssyncset.done @!p0 $0x0  }
0xcc: {  	[sflag:s0] =	ssyncadd.s32 @!p0 $0xFFFFFFFF  }
0xcd: {  	v2 =	vmov @!p0 s4;
	v1 =	vld.msk @!p0 [tilespmem:$0xB0], $0x1;
	_ =	sdelay $0x3  }
0xce: {  	s0 =	simm.s32 @!p0 $0xE0  }
0xcf: {  	[tilespmem:v2+s0+$0x0], v1 =	vst.idx.ret.add.f32.msk @!p0 $0x1, v1  }
0xd0: {  	[tilespmem:s2+$0xC0] =	vst.msk $0x1, v0  }
0xd1: {  	v0 =	vld.msk [tilespmem:s4+$0xE0], $0x1;
	_ =	sdelay $0x4  }
0xd2: {  	[tilespmem:s2+$0xE0] =	vst.msk $0x1, v0;
	s2 =	sadd.s32 $0x1, s2  }
.LBB2_22:
0xd3: {  	s4 =	sadd.s32 $0x1, s4  }
0xd4: {  	p0 =	sne.s32 s4, $0x20  }
.Ltmp10:
0xd5: {  	_ = 	snop;
	(pc) =	sbr.rel @!p0 .LBB2_23-.Ltmp10, $1  }
0xd6: {  	_ =	sdelay $0x3  }
.LBB2_15:
0xd7: {  	v0 =	vld.msk [tilespmem:s4+$0xC0], $0x1;
	_ =	sdelay $0x4  }
0xd8: {  	(v2sf) =	vpush v0, $0x0;
	_ =	sdelay $0xe  }
0xd9: {  	s0 =	spop (v2sf)  }
0xda: {  	p0 =	seq.s32 s0, $0xFFFFFFFF  }
.Ltmp11:
0xdb: {  	_ = 	snop;
	(pc) =	sbr.rel @p0 .LBB2_22-.Ltmp11, $1  }
0xdc: {  	_ =	sdelay $0x3  }
0xdd: {  	p0 =	slt.s32 s2, $0x1  }
.Ltmp12:
0xde: {  	_ = 	snop;
	(pc) =	sbr.rel @p0 .LBB2_20-.Ltmp12, $1  }
0xdf: {  	_ =	sdelay $0x3  }
0xe0: {  	s5 =	simm.s32 $0xC0;
	p0 =	por $0x0, $0x0  }
0xe1: {  	v1 =	vld.msk @!p0 [tilespmem:s5+$0x0], $0x1;
	_ =	sdelay $0x4  }
0xe2: {  	(v2sf) =	vpush @!p0 v1, $0x0;
	_ =	sdelay $0xd  }
0xe3: {  	p2 =	sne.s32 s2, $0x1  }
.Ltmp13:
0xe4: {  	s6 =	spop @!p0 (v2sf);
	(pc) =	sbr.rel @!p2 .LBB2_19-.Ltmp13, $4  }
0xe5: {  	p1 =	seq.s32 @!p0 s0, s6  }
0xe6: {  	s6 =	simm.s32 $0x0;
	p1 =	por !p1, p0  }
0xe7: {  	s8 =	simm.s32 $0xFFFFFFFF;
	s6 =	simm.s32 @p1 $0xFFFFFFFF  }
0xe8: {  	s7 =	simm.s32 $0x1;
	s6 =	smov.u32 @p0 s8  }
.LBB2_18:
0xe9: {  	s8 =	smov.u32 s6;
	p0 =	sne.s32 s6, $0xFFFFFFFF  }
0xea: {  	s5 =	sadd.s32 $0x1, s5;
	s6 =	smov.u32 s7;
	s7 =	sadd.s32 $0x1, s7  }
0xeb: {  	p1 =	sne.s32 s2, s7;
	v1 =	vld.msk @!p0 [tilespmem:s5+$0x0], $0x1;
	_ =	sdelay $0x4  }
0xec: {  	(v2sf) =	vpush @!p0 v1, $0x0;
	_ =	sdelay $0xe  }
.Ltmp14:
0xed: {  	s9 =	spop @!p0 (v2sf);
	(pc) =	sbr.rel @p1 .LBB2_18-.Ltmp14, $4  }
0xee: {  	p2 =	seq.s32 @!p0 s0, s9  }
0xef: {  	p2 =	por !p2, p0  }
0xf0: {  	s6 =	simm.s32 @p2 $0xFFFFFFFF  }
0xf1: {  	s6 =	smov.u32 @p0 s8  }
.LBB2_19:
0xf2: {  	p0 =	sne.s32 s6, $0xFFFFFFFF  }
.Ltmp15:
0xf3: {  	_ = 	snop;
	(pc) =	sbr.rel @!p0 .LBB2_20-.Ltmp15, $1  }
0xf4: {  	_ =	sdelay $0x3  }
0xf5: {  	v0 =	vld.msk [tilespmem:s4+$0xE0], $0x1;
	v1 =	vmov s6  }
.Ltmp16:
0xf6: {  	_ = 	snop;
	(pc) =	sbr.rel .LBB2_22-.Ltmp16, $2  }
0xf7: {  	_ =	sdelay $0x2  }
0xf8: {  	[tilespmem:v1+s3+$0x0], v0 =	vst.idx.ret.add.f32.msk $0x1, v0  }
.LBB2_23:
0xf9: {  	p0 =	slt.s32 s2, $0x1  }
.Ltmp17:
0xfa: {  	_ = 	snop;
	(pc) =	sbr.rel @p0 .LBB2_27-.Ltmp17, $3  }
0xfb: {  	_ =	sdelay $0x1  }
0xfc: {  	s0 =	simm.s32 $0x6  }
0xfd: {  	[sflag:s0] =	ssyncpa.u1 $0x1;
	s0 =	simm.s32 $0x0  }
0xfe: {  	s3 =	simm.s32 $0xC0  }
0xff: {  	v0 =	vld.msk [tilespmem:s3+$0x0], $0x1;
	_ =	sdelay $0x4  }
0x100: {  	(v2sf) =	vpush v0, $0x0;
	_ =	sdelay $0xe  }
0x101: {  	s2 =	sadd.s32 $0xFFFFFFFF, s2;
	s4 =	spop (v2sf)  }
0x102: {  	p1 =	sne.s32 s2, $0x0;
	p0 =	sgt.u32 s4, $0x187FF  }
.Ltmp18:
0x103: {  	s5 =	sshrl.u32 @!p0 s4, $0x3;
	(pc) =	sbr.rel @!p1 .LBB2_26-.Ltmp18, $4  }
0x104: {  	s3 =	simm.s32 $0xE0;
	s4 =	sand.u32 @!p0 $0x7, s4;
	s5 =	sadd.s32 @!p0 s1, s5  }
0x105: {  	[hbm4b:s5+s4] =	stream.linear.scatter @!p0 [tilespmem:s3], [sflag:$0x5], $0x1, $0x38;
	[tilespmem:$0x1320] =	vst v63  }
0x106: {  	s5 =	simm.s32 $0x0  }
0x107: {  	s4 =	simm.s32 $0xC1;
	s5 =	simm.s32 @!p0 $0x4  }
.LBB2_25:
0x108: {  	v0 =	vld.msk [tilespmem:s4+$0x0], $0x1;
	s2 =	sadd.s32 $0xFFFFFFFF, s2;
	s0 =	sadd.s32 s0, s5  }
0x109: {  	p0 =	sne.s32 s2, $0x0;
	_ =	sdelay $0x3  }
0x10a: {  	(v2sf) =	vpush v0, $0x0;
	_ =	sdelay $0xe  }
.Ltmp19:
0x10b: {  	s6 =	spop (v2sf);
	(pc) =	sbr.rel @p0 .LBB2_25-.Ltmp19, $4  }
0x10c: {  	s5 =	simm.s32 $0x0;
	p1 =	sgt.u32 s6, $0x187FF  }
0x10d: {  	s3 =	sadd.s32 $0x1, s3;
	s5 =	simm.s32 @!p1 $0x4;
	s7 =	sshrl.u32 @!p1 s6, $0x3  }
0x10e: {  	s4 =	sadd.s32 $0x1, s4;
	s6 =	sand.u32 @!p1 $0x7, s6;
	s7 =	sadd.s32 @!p1 s1, s7  }
0x10f: {  	[hbm4b:s7+s6] =	stream.linear.scatter @!p1 [tilespmem:s3], [sflag:$0x5], $0x1, $0x38;
	[tilespmem:$0x1320] =	vst v63  }
.LBB2_26:
0x110: {  	s0 =	sadd.s32 s0, s5  }
0x111: {  	s0 =	sshrl.u32 s0, $0x2  }
.LBB2_27:
0x112: {  	s1 =	simm.s32 $0x5  }
0x113: {  	_ =	swait.ge [sflag:s1], s0  }
0x114: {  	s28 =	ssub.s32 $0x0, s0;
	[sflag:s1] =	ssyncset.done $0x0  }
0x115: {  	[sflag:s1] =	ssyncadd.s32 s28  }
0x116: {  	[sflag:s1] =	ssyncpa.u1 $0x1  }
0x117: {  	s29 =	simm.s32 $0x1;
	_ =	sfence  }
0x118: {  	s30 =	simm.s32 $0x2;
	[sflag:s29] =	ssyncpa.u1 $0x1  }
0x119: {  	[sflag:s30] =	ssyncpa.u1 $0x1  }
0x11a: {  	_ =	strace $0x90000047  }
0x11b: {  	[bflag:$0x2] =	sbarrier.arrive $0xFFFF  }
0x11c: {  	s31 =	rddreg [dreg:$0x1]  }
0x11d: {  	s0 =	sadd.s32 $0x100000, s31  }
0x11e: {  	[sflag:s0] =	ssyncadd.tile.s32 $0x1;
	_ =	shalt  }
.Lfunc_end2:
_tile_overlayer_lowered:
.L_overlay_start_2:
0x11f: {  	(tag) =	ssettag $0x2  }
0x120: {  	s0 =	rddreg [dreg:$0x0];
	s2 =	stileid.u32  }
0x121: {  	s1 =	rddreg [dreg:$0x1];
	p0 =	sne.s32 s2, $0x0  }
0x122: {  	s3 =	rddreg [dreg:$0x2];
	[bflag:$0x3] =	sbarrier.arrive $0xFFFF;
	s2 =	simm.s32 @!p0 $0x1C01  }
0x123: {  	[timem:s3], [sflag:s2] =	dma.local @!p0 [hbm:s0], s1  }
0x124: {  	s0 =	simm.s32 @!p0 $0x1  }
0x125: {  	_ =	swait.ge @!p0 [sflag:s0], s1  }
0x126: {  	s1 =	ssub.s32 @!p0 $0x0, s1;
	[sflag:s0] =	ssyncset.done @!p0 $0x0  }
0x127: {  	[sflag:s0] =	ssyncadd.s32 @!p0 s1  }
0x128: {  	[bflag:$0x3] =	sbarrier.arrive $0xFFFF  }
0x129: {  	_ =	shalt  }

</sc_bundles>
